<compile_context>
chip_gen: v7x
topology: tpu7x:2x2x1
jax: 0.10.2.dev20260603
libtpu: 0.0.44.dev20260713+nightly
codegen_flags: <defaults>
</compile_context>

<pallas_src>
import functools

import jax
import jax.numpy as jnp
from jax import lax
from jax.experimental import pallas as pl
from jax.experimental.pallas import tpu as pltpu
from jax.experimental.pallas import tpu_sc as plsc

_NC, _NS = 2, 16
_NW = _NC * _NS


@functools.partial(jax.jit, static_argnums=(2, 3, 4))
def _sc_gather(ids, table, B, V, D):
    b_per_w = B // _NW
    chunk = 16
    nbuf = 4
    n_chunks = b_per_w // chunk
    mesh = plsc.VectorSubcoreMesh(core_axis_name="c", subcore_axis_name="s")

    assert n_chunks % nbuf == 0

    @functools.partial(
        pl.kernel,
        mesh=mesh,
        out_type=jax.ShapeDtypeStruct((B, D), jnp.float32),
        scratch_types=[
            pltpu.VMEM((b_per_w,), jnp.int32),
            [pltpu.VMEM((chunk, D), jnp.float32)] * nbuf,
            [pltpu.SemaphoreType.DMA] * nbuf,
        ],
    )
    def k(idx_hbm, table_hbm, out_hbm, idx_v, rows, gsems):
        wid = lax.axis_index("s") * _NC + lax.axis_index("c")
        base = wid * b_per_w
        pltpu.sync_copy(idx_hbm.at[pl.ds(base, b_per_w)], idx_v)

        def gather(c, buf, sem):
            idx_slice = idx_v.at[pl.ds(c * chunk, chunk)]
            return pltpu.make_async_copy(table_hbm.at[idx_slice], buf, sem)

        def writeback(c, buf):
            pltpu.sync_copy(buf, out_hbm.at[pl.ds(base + c * chunk, chunk)])

        for j in range(nbuf):
            gather(j, rows[j], gsems[j]).start()

        def body(i, _):
            c0 = nbuf * i
            for j in range(nbuf):
                c = c0 + j
                gather(c, rows[j], gsems[j]).wait()
                writeback(c, rows[j])

                @pl.when(c + nbuf < n_chunks)
                def _():
                    gather(c + nbuf, rows[j], gsems[j]).start()

            return 0

        lax.fori_loop(0, n_chunks // nbuf, body, 0)

    return k(ids, table)


def kernel(position_ids, table):
    bsz, seq = position_ids.shape
    V, D = table.shape
    ids = position_ids.reshape(-1)
    out = _sc_gather(ids, table, bsz * seq, V, D)
    return out.reshape(bsz, seq, D)

# --- scband reference (transcript-rebuilt; emitter-appended) ---
"""Pipeline reference for scband-sinusoidal-position-encoding-82918638616906 (READ-ONLY COPY).

The authoritative reference and input builder live on the scoring server;
editing this copy changes nothing except your own understanding.
"""

import jax, jax.numpy as jnp
import numpy as np


def get_sinusoid_encoding_table(n_position, d_hid):
    position = np.arange(n_position, dtype=np.float64)[:, None]
    div = np.power(10000.0, 2.0 * (np.arange(d_hid) // 2) / d_hid)[None, :]
    table = position / div
    table[:, 0::2] = np.sin(table[:, 0::2])
    table[:, 1::2] = np.cos(table[:, 1::2])
    return jnp.asarray(table, dtype=jnp.float32)


def setup_inputs(seed: int = 0) -> dict:
    key = jax.random.key(seed)
    max_position, embedding_size = 8192, 1024
    batch, seq_len = 4, 8192
    position_ids = jax.random.randint(key, (batch, seq_len), 0, max_position, dtype=jnp.int32)
    table = get_sinusoid_encoding_table(max_position, embedding_size)
    return {"position_ids": position_ids, "table": table}


def reference(position_ids, table):
    # nn.Embedding lookup on frozen sinusoidal table -> gather along axis 0
    return jnp.take(table, position_ids, axis=0)

if __name__ == "__main__":
    import jax
    _d = setup_inputs()
    print(jax.jit(kernel)(*tuple(_d.values())))

</pallas_src>

<mosaic_0001>
#map = affine_map<(d0, d1) -> (0)>
#map1 = affine_map<(d0, d1) -> (0, 0)>
module attributes {stable_mosaic.version = 14 : i64} {
  func.func @k(%arg0: i32, %arg1: i32, %arg2: memref<32768xi32, #tpu.memory_space<hbm>>, %arg3: memref<8192x1024xf32, #tpu.memory_space<hbm>>, %arg4: memref<32768x1024xf32, #tpu.memory_space<hbm>>, %arg5: memref<1024xi32, #tpu.memory_space<vmem>>, %arg6: memref<16x1024xf32, #tpu.memory_space<vmem>>, %arg7: memref<16x1024xf32, #tpu.memory_space<vmem>>, %arg8: memref<16x1024xf32, #tpu.memory_space<vmem>>, %arg9: memref<16x1024xf32, #tpu.memory_space<vmem>>, %arg10: memref<!tpu.dma_semaphore, #tpu.memory_space<semaphore_mem>>, %arg11: memref<!tpu.dma_semaphore, #tpu.memory_space<semaphore_mem>>, %arg12: memref<!tpu.dma_semaphore, #tpu.memory_space<semaphore_mem>>, %arg13: memref<!tpu.dma_semaphore, #tpu.memory_space<semaphore_mem>>) attributes {dimension_semantics = [#tpu.dimension_semantics<core_parallel>, #tpu.dimension_semantics<subcore_parallel>], iteration_bounds = array<i64: 2, 16>, scalar_prefetch = 0 : i64, scratch_operands = 9 : i64, tpu.core_type = #tpu.core_type<sc_vector_subcore>, window_params = [{transform_indices = #map}, {transform_indices = #map1}, {transform_indices = #map1}]} {
    %mul3A = arith.constant 2 : i32
    %mul3A_0 = arith.muli %arg1, %mul3A : i32
    %add3A = arith.addi %mul3A_0, %arg0 : i32
    %mul3A_1 = arith.constant 1024 : i32
    %mul3A_2 = arith.muli %add3A, %mul3A_1 : i32
    "tpu.region"() ({
      %run_scoped3A = tpu.sem_alloc : memref<!tpu.dma_semaphore, #tpu.memory_space<semaphore_mem>>
      %dma_start3A_28 = tpu.memref_slice %arg2[%mul3A_2] : memref<32768xi32, #tpu.memory_space<hbm>> -> memref<1024xi32, #tpu.memory_space<hbm>>
      %dma_start3A_29 = tpu.memref_slice %arg2[%mul3A_2] : memref<32768xi32, #tpu.memory_space<hbm>> -> memref<1024xi32, #tpu.memory_space<hbm>>
      tpu.enqueue_dma source(%dma_start3A_29 : memref<1024xi32, #tpu.memory_space<hbm>>) target(%arg5 : memref<1024xi32, #tpu.memory_space<vmem>>) target_semaphore(%run_scoped3A : memref<!tpu.dma_semaphore, #tpu.memory_space<semaphore_mem>>)
      %dma_wait3A = tpu.memref_slice %arg2[%mul3A_2] : memref<32768xi32, #tpu.memory_space<hbm>> -> memref<1024xi32, #tpu.memory_space<hbm>>
      %dma_wait3A_30 = tpu.memref_slice %arg2[%mul3A_2] : memref<32768xi32, #tpu.memory_space<hbm>> -> memref<1024xi32, #tpu.memory_space<hbm>>
      tpu.wait_dma2 semaphore(%run_scoped3A : memref<!tpu.dma_semaphore, #tpu.memory_space<semaphore_mem>>) src(%dma_wait3A_30 : memref<1024xi32, #tpu.memory_space<hbm>>) dst(%arg5 : memref<1024xi32, #tpu.memory_space<vmem>>)
      tpu.yield
    }) : () -> ()
    %dma_start3A = arith.constant 0 : i32
    %dma_start3A_3 = tpu.memref_slice %arg5[%dma_start3A] : memref<1024xi32, #tpu.memory_space<vmem>> -> memref<16xi32, #tpu.memory_space<vmem>>
    %dma_start3A_4 = arith.constant 0 : i32
    %dma_start3A_5 = arith.constant 0 : i32
    %dma_start3A_6 = tpu.memref_slice %arg3[%dma_start3A_4, %dma_start3A_5] : memref<8192x1024xf32, #tpu.memory_space<hbm>> -> memref<8192x1024xf32, #tpu.memory_space<hbm>>
    tpu.enqueue_indirect_dma source(%dma_start3A_6 : memref<8192x1024xf32, #tpu.memory_space<hbm>>) target(%arg6 : memref<16x1024xf32, #tpu.memory_space<vmem>>) offsets(%dma_start3A_3 : memref<16xi32, #tpu.memory_space<vmem>>) semaphore(%arg10 : memref<!tpu.dma_semaphore, #tpu.memory_space<semaphore_mem>>)
    %dma_start3A_7 = arith.constant 16 : i32
    %dma_start3A_8 = tpu.memref_slice %arg5[%dma_start3A_7] : memref<1024xi32, #tpu.memory_space<vmem>> -> memref<16xi32, #tpu.memory_space<vmem>>
    %dma_start3A_9 = arith.constant 0 : i32
    %dma_start3A_10 = arith.constant 0 : i32
    %dma_start3A_11 = tpu.memref_slice %arg3[%dma_start3A_9, %dma_start3A_10] : memref<8192x1024xf32, #tpu.memory_space<hbm>> -> memref<8192x1024xf32, #tpu.memory_space<hbm>>
    tpu.enqueue_indirect_dma source(%dma_start3A_11 : memref<8192x1024xf32, #tpu.memory_space<hbm>>) target(%arg7 : memref<16x1024xf32, #tpu.memory_space<vmem>>) offsets(%dma_start3A_8 : memref<16xi32, #tpu.memory_space<vmem>>) semaphore(%arg11 : memref<!tpu.dma_semaphore, #tpu.memory_space<semaphore_mem>>)
    %dma_start3A_12 = arith.constant 32 : i32
    %dma_start3A_13 = tpu.memref_slice %arg5[%dma_start3A_12] : memref<1024xi32, #tpu.memory_space<vmem>> -> memref<16xi32, #tpu.memory_space<vmem>>
    %dma_start3A_14 = arith.constant 0 : i32
    %dma_start3A_15 = arith.constant 0 : i32
    %dma_start3A_16 = tpu.memref_slice %arg3[%dma_start3A_14, %dma_start3A_15] : memref<8192x1024xf32, #tpu.memory_space<hbm>> -> memref<8192x1024xf32, #tpu.memory_space<hbm>>
    tpu.enqueue_indirect_dma source(%dma_start3A_16 : memref<8192x1024xf32, #tpu.memory_space<hbm>>) target(%arg8 : memref<16x1024xf32, #tpu.memory_space<vmem>>) offsets(%dma_start3A_13 : memref<16xi32, #tpu.memory_space<vmem>>) semaphore(%arg12 : memref<!tpu.dma_semaphore, #tpu.memory_space<semaphore_mem>>)
    %dma_start3A_17 = arith.constant 48 : i32
    %dma_start3A_18 = tpu.memref_slice %arg5[%dma_start3A_17] : memref<1024xi32, #tpu.memory_space<vmem>> -> memref<16xi32, #tpu.memory_space<vmem>>
    %dma_start3A_19 = arith.constant 0 : i32
    %dma_start3A_20 = arith.constant 0 : i32
    %dma_start3A_21 = tpu.memref_slice %arg3[%dma_start3A_19, %dma_start3A_20] : memref<8192x1024xf32, #tpu.memory_space<hbm>> -> memref<8192x1024xf32, #tpu.memory_space<hbm>>
    tpu.enqueue_indirect_dma source(%dma_start3A_21 : memref<8192x1024xf32, #tpu.memory_space<hbm>>) target(%arg9 : memref<16x1024xf32, #tpu.memory_space<vmem>>) offsets(%dma_start3A_18 : memref<16xi32, #tpu.memory_space<vmem>>) semaphore(%arg13 : memref<!tpu.dma_semaphore, #tpu.memory_space<semaphore_mem>>)
    %scan3A = arith.constant 0 : i32
    %scan3A_22 = arith.constant 0 : i32
    %scan3A_23 = arith.constant 16 : i32
    %scan3A_24 = arith.addi %scan3A_22, %scan3A_23 : i32
    %scan3A_25 = arith.constant 1 : i32
    %scan3A_26 = scf.for %scan3A_28 = %scan3A_22 to %scan3A_24 step %scan3A_25 iter_args(%scan3A_29 = %scan3A) -> (i32)  : i32 {
      %mul3A_30 = arith.constant 4 : i32
      %mul3A_31 = arith.muli %mul3A_30, %scan3A_28 : i32
      %add3A_32 = arith.constant 0 : i32
      %add3A_33 = arith.addi %mul3A_31, %add3A_32 : i32
      %mul3A_34 = arith.constant 16 : i32
      %mul3A_35 = arith.muli %add3A_33, %mul3A_34 : i32
      %dma_wait3A = tpu.memref_slice %arg5[%mul3A_35] : memref<1024xi32, #tpu.memory_space<vmem>> -> memref<16xi32, #tpu.memory_space<vmem>>
      %dma_wait3A_36 = arith.constant 0 : i32
      %dma_wait3A_37 = arith.constant 0 : i32
      %dma_wait3A_38 = tpu.memref_slice %arg3[%dma_wait3A_36, %dma_wait3A_37] : memref<8192x1024xf32, #tpu.memory_space<hbm>> -> memref<8192x1024xf32, #tpu.memory_space<hbm>>
      tpu.wait_indirect_dma semaphore(%arg10 : memref<!tpu.dma_semaphore, #tpu.memory_space<semaphore_mem>>) src(%dma_wait3A_38 : memref<8192x1024xf32, #tpu.memory_space<hbm>>) dst(%arg6 : memref<16x1024xf32, #tpu.memory_space<vmem>>)
      %mul3A_39 = arith.constant 16 : i32
      %mul3A_40 = arith.muli %add3A_33, %mul3A_39 : i32
      %add3A_41 = arith.addi %mul3A_2, %mul3A_40 : i32
      "tpu.region"() ({
        %run_scoped3A = tpu.sem_alloc : memref<!tpu.dma_semaphore, #tpu.memory_space<semaphore_mem>>
        %dma_start3A_101 = arith.constant 0 : i32
        %dma_start3A_102 = tpu.memref_slice %arg4[%add3A_41, %dma_start3A_101] : memref<32768x1024xf32, #tpu.memory_space<hbm>> -> memref<16x1024xf32, #tpu.memory_space<hbm>>
        %dma_start3A_103 = arith.constant 0 : i32
        %dma_start3A_104 = tpu.memref_slice %arg4[%add3A_41, %dma_start3A_103] : memref<32768x1024xf32, #tpu.memory_space<hbm>> -> memref<16x1024xf32, #tpu.memory_space<hbm>>
        tpu.enqueue_dma source(%arg6 : memref<16x1024xf32, #tpu.memory_space<vmem>>) target(%dma_start3A_104 : memref<16x1024xf32, #tpu.memory_space<hbm>>) target_semaphore(%run_scoped3A : memref<!tpu.dma_semaphore, #tpu.memory_space<semaphore_mem>>)
        %dma_wait3A_105 = arith.constant 0 : i32
        %dma_wait3A_106 = tpu.memref_slice %arg4[%add3A_41, %dma_wait3A_105] : memref<32768x1024xf32, #tpu.memory_space<hbm>> -> memref<16x1024xf32, #tpu.memory_space<hbm>>
        %dma_wait3A_107 = arith.constant 0 : i32
        %dma_wait3A_108 = tpu.memref_slice %arg4[%add3A_41, %dma_wait3A_107] : memref<32768x1024xf32, #tpu.memory_space<hbm>> -> memref<16x1024xf32, #tpu.memory_space<hbm>>
        tpu.wait_dma2 semaphore(%run_scoped3A : memref<!tpu.dma_semaphore, #tpu.memory_space<semaphore_mem>>) src(%arg6 : memref<16x1024xf32, #tpu.memory_space<vmem>>) dst(%dma_wait3A_108 : memref<16x1024xf32, #tpu.memory_space<hbm>>)
        tpu.yield
      }) : () -> ()
      %add3A_42 = arith.constant 4 : i32
      %add3A_43 = arith.addi %add3A_33, %add3A_42 : i32
      %lt3A = arith.constant 64 : i32
      %lt3A_44 = arith.cmpi slt, %add3A_43, %lt3A : i32
      %convert_element_type3A = arith.extui %lt3A_44 : i1 to i32
      %cond3A = arith.constant 0 : i32
      %cond3A_45 = arith.cmpi ne, %convert_element_type3A, %cond3A : i32
      scf.if %cond3A_45 {
        %add3A_101 = arith.constant 4 : i32
        %add3A_102 = arith.addi %add3A_33, %add3A_101 : i32
        %mul3A_103 = arith.constant 16 : i32
        %mul3A_104 = arith.muli %add3A_102, %mul3A_103 : i32
        %dma_start3A_105 = tpu.memref_slice %arg5[%mul3A_104] : memref<1024xi32, #tpu.memory_space<vmem>> -> memref<16xi32, #tpu.memory_space<vmem>>
        %dma_start3A_106 = arith.constant 0 : i32
        %dma_start3A_107 = arith.constant 0 : i32
        %dma_start3A_108 = tpu.memref_slice %arg3[%dma_start3A_106, %dma_start3A_107] : memref<8192x1024xf32, #tpu.memory_space<hbm>> -> memref<8192x1024xf32, #tpu.memory_space<hbm>>
        tpu.enqueue_indirect_dma source(%dma_start3A_108 : memref<8192x1024xf32, #tpu.memory_space<hbm>>) target(%arg6 : memref<16x1024xf32, #tpu.memory_space<vmem>>) offsets(%dma_start3A_105 : memref<16xi32, #tpu.memory_space<vmem>>) semaphore(%arg10 : memref<!tpu.dma_semaphore, #tpu.memory_space<semaphore_mem>>)
      } else {
      }
      %add3A_46 = arith.constant 1 : i32
      %add3A_47 = arith.addi %mul3A_31, %add3A_46 : i32
      %mul3A_48 = arith.constant 16 : i32
      %mul3A_49 = arith.muli %add3A_47, %mul3A_48 : i32
      %dma_wait3A_50 = tpu.memref_slice %arg5[%mul3A_49] : memref<1024xi32, #tpu.memory_space<vmem>> -> memref<16xi32, #tpu.memory_space<vmem>>
      %dma_wait3A_51 = arith.constant 0 : i32
      %dma_wait3A_52 = arith.constant 0 : i32
      %dma_wait3A_53 = tpu.memref_slice %arg3[%dma_wait3A_51, %dma_wait3A_52] : memref<8192x1024xf32, #tpu.memory_space<hbm>> -> memref<8192x1024xf32, #tpu.memory_space<hbm>>
      tpu.wait_indirect_dma semaphore(%arg11 : memref<!tpu.dma_semaphore, #tpu.memory_space<semaphore_mem>>) src(%dma_wait3A_53 : memref<8192x1024xf32, #tpu.memory_space<hbm>>) dst(%arg7 : memref<16x1024xf32, #tpu.memory_space<vmem>>)
      %mul3A_54 = arith.constant 16 : i32
      %mul3A_55 = arith.muli %add3A_47, %mul3A_54 : i32
      %add3A_56 = arith.addi %mul3A_2, %mul3A_55 : i32
      "tpu.region"() ({
        %run_scoped3A = tpu.sem_alloc : memref<!tpu.dma_semaphore, #tpu.memory_space<semaphore_mem>>
        %dma_start3A_101 = arith.constant 0 : i32
        %dma_start3A_102 = tpu.memref_slice %arg4[%add3A_56, %dma_start3A_101] : memref<32768x1024xf32, #tpu.memory_space<hbm>> -> memref<16x1024xf32, #tpu.memory_space<hbm>>
        %dma_start3A_103 = arith.constant 0 : i32
        %dma_start3A_104 = tpu.memref_slice %arg4[%add3A_56, %dma_start3A_103] : memref<32768x1024xf32, #tpu.memory_space<hbm>> -> memref<16x1024xf32, #tpu.memory_space<hbm>>
        tpu.enqueue_dma source(%arg7 : memref<16x1024xf32, #tpu.memory_space<vmem>>) target(%dma_start3A_104 : memref<16x1024xf32, #tpu.memory_space<hbm>>) target_semaphore(%run_scoped3A : memref<!tpu.dma_semaphore, #tpu.memory_space<semaphore_mem>>)
        %dma_wait3A_105 = arith.constant 0 : i32
        %dma_wait3A_106 = tpu.memref_slice %arg4[%add3A_56, %dma_wait3A_105] : memref<32768x1024xf32, #tpu.memory_space<hbm>> -> memref<16x1024xf32, #tpu.memory_space<hbm>>
        %dma_wait3A_107 = arith.constant 0 : i32
        %dma_wait3A_108 = tpu.memref_slice %arg4[%add3A_56, %dma_wait3A_107] : memref<32768x1024xf32, #tpu.memory_space<hbm>> -> memref<16x1024xf32, #tpu.memory_space<hbm>>
        tpu.wait_dma2 semaphore(%run_scoped3A : memref<!tpu.dma_semaphore, #tpu.memory_space<semaphore_mem>>) src(%arg7 : memref<16x1024xf32, #tpu.memory_space<vmem>>) dst(%dma_wait3A_108 : memref<16x1024xf32, #tpu.memory_space<hbm>>)
        tpu.yield
      }) : () -> ()
      %add3A_57 = arith.constant 4 : i32
      %add3A_58 = arith.addi %add3A_47, %add3A_57 : i32
      %lt3A_59 = arith.constant 64 : i32
      %lt3A_60 = arith.cmpi slt, %add3A_58, %lt3A_59 : i32
      %convert_element_type3A_61 = arith.extui %lt3A_60 : i1 to i32
      %cond3A_62 = arith.constant 0 : i32
      %cond3A_63 = arith.cmpi ne, %convert_element_type3A_61, %cond3A_62 : i32
      scf.if %cond3A_63 {
        %add3A_101 = arith.constant 4 : i32
        %add3A_102 = arith.addi %add3A_47, %add3A_101 : i32
        %mul3A_103 = arith.constant 16 : i32
        %mul3A_104 = arith.muli %add3A_102, %mul3A_103 : i32
        %dma_start3A_105 = tpu.memref_slice %arg5[%mul3A_104] : memref<1024xi32, #tpu.memory_space<vmem>> -> memref<16xi32, #tpu.memory_space<vmem>>
        %dma_start3A_106 = arith.constant 0 : i32
        %dma_start3A_107 = arith.constant 0 : i32
        %dma_start3A_108 = tpu.memref_slice %arg3[%dma_start3A_106, %dma_start3A_107] : memref<8192x1024xf32, #tpu.memory_space<hbm>> -> memref<8192x1024xf32, #tpu.memory_space<hbm>>
        tpu.enqueue_indirect_dma source(%dma_start3A_108 : memref<8192x1024xf32, #tpu.memory_space<hbm>>) target(%arg7 : memref<16x1024xf32, #tpu.memory_space<vmem>>) offsets(%dma_start3A_105 : memref<16xi32, #tpu.memory_space<vmem>>) semaphore(%arg11 : memref<!tpu.dma_semaphore, #tpu.memory_space<semaphore_mem>>)
      } else {
      }
      %add3A_64 = arith.constant 2 : i32
      %add3A_65 = arith.addi %mul3A_31, %add3A_64 : i32
      %mul3A_66 = arith.constant 16 : i32
      %mul3A_67 = arith.muli %add3A_65, %mul3A_66 : i32
      %dma_wait3A_68 = tpu.memref_slice %arg5[%mul3A_67] : memref<1024xi32, #tpu.memory_space<vmem>> -> memref<16xi32, #tpu.memory_space<vmem>>
      %dma_wait3A_69 = arith.constant 0 : i32
      %dma_wait3A_70 = arith.constant 0 : i32
      %dma_wait3A_71 = tpu.memref_slice %arg3[%dma_wait3A_69, %dma_wait3A_70] : memref<8192x1024xf32, #tpu.memory_space<hbm>> -> memref<8192x1024xf32, #tpu.memory_space<hbm>>
      tpu.wait_indirect_dma semaphore(%arg12 : memref<!tpu.dma_semaphore, #tpu.memory_space<semaphore_mem>>) src(%dma_wait3A_71 : memref<8192x1024xf32, #tpu.memory_space<hbm>>) dst(%arg8 : memref<16x1024xf32, #tpu.memory_space<vmem>>)
      %mul3A_72 = arith.constant 16 : i32
      %mul3A_73 = arith.muli %add3A_65, %mul3A_72 : i32
      %add3A_74 = arith.addi %mul3A_2, %mul3A_73 : i32
      "tpu.region"() ({
        %run_scoped3A = tpu.sem_alloc : memref<!tpu.dma_semaphore, #tpu.memory_space<semaphore_mem>>
        %dma_start3A_101 = arith.constant 0 : i32
        %dma_start3A_102 = tpu.memref_slice %arg4[%add3A_74, %dma_start3A_101] : memref<32768x1024xf32, #tpu.memory_space<hbm>> -> memref<16x1024xf32, #tpu.memory_space<hbm>>
        %dma_start3A_103 = arith.constant 0 : i32
        %dma_start3A_104 = tpu.memref_slice %arg4[%add3A_74, %dma_start3A_103] : memref<32768x1024xf32, #tpu.memory_space<hbm>> -> memref<16x1024xf32, #tpu.memory_space<hbm>>
        tpu.enqueue_dma source(%arg8 : memref<16x1024xf32, #tpu.memory_space<vmem>>) target(%dma_start3A_104 : memref<16x1024xf32, #tpu.memory_space<hbm>>) target_semaphore(%run_scoped3A : memref<!tpu.dma_semaphore, #tpu.memory_space<semaphore_mem>>)
        %dma_wait3A_105 = arith.constant 0 : i32
        %dma_wait3A_106 = tpu.memref_slice %arg4[%add3A_74, %dma_wait3A_105] : memref<32768x1024xf32, #tpu.memory_space<hbm>> -> memref<16x1024xf32, #tpu.memory_space<hbm>>
        %dma_wait3A_107 = arith.constant 0 : i32
        %dma_wait3A_108 = tpu.memref_slice %arg4[%add3A_74, %dma_wait3A_107] : memref<32768x1024xf32, #tpu.memory_space<hbm>> -> memref<16x1024xf32, #tpu.memory_space<hbm>>
        tpu.wait_dma2 semaphore(%run_scoped3A : memref<!tpu.dma_semaphore, #tpu.memory_space<semaphore_mem>>) src(%arg8 : memref<16x1024xf32, #tpu.memory_space<vmem>>) dst(%dma_wait3A_108 : memref<16x1024xf32, #tpu.memory_space<hbm>>)
        tpu.yield
      }) : () -> ()
      %add3A_75 = arith.constant 4 : i32
      %add3A_76 = arith.addi %add3A_65, %add3A_75 : i32
      %lt3A_77 = arith.constant 64 : i32
      %lt3A_78 = arith.cmpi slt, %add3A_76, %lt3A_77 : i32
      %convert_element_type3A_79 = arith.extui %lt3A_78 : i1 to i32
      %cond3A_80 = arith.constant 0 : i32
      %cond3A_81 = arith.cmpi ne, %convert_element_type3A_79, %cond3A_80 : i32
      scf.if %cond3A_81 {
        %add3A_101 = arith.constant 4 : i32
        %add3A_102 = arith.addi %add3A_65, %add3A_101 : i32
        %mul3A_103 = arith.constant 16 : i32
        %mul3A_104 = arith.muli %add3A_102, %mul3A_103 : i32
        %dma_start3A_105 = tpu.memref_slice %arg5[%mul3A_104] : memref<1024xi32, #tpu.memory_space<vmem>> -> memref<16xi32, #tpu.memory_space<vmem>>
        %dma_start3A_106 = arith.constant 0 : i32
        %dma_start3A_107 = arith.constant 0 : i32
        %dma_start3A_108 = tpu.memref_slice %arg3[%dma_start3A_106, %dma_start3A_107] : memref<8192x1024xf32, #tpu.memory_space<hbm>> -> memref<8192x1024xf32, #tpu.memory_space<hbm>>
        tpu.enqueue_indirect_dma source(%dma_start3A_108 : memref<8192x1024xf32, #tpu.memory_space<hbm>>) target(%arg8 : memref<16x1024xf32, #tpu.memory_space<vmem>>) offsets(%dma_start3A_105 : memref<16xi32, #tpu.memory_space<vmem>>) semaphore(%arg12 : memref<!tpu.dma_semaphore, #tpu.memory_space<semaphore_mem>>)
      } else {
      }
      %add3A_82 = arith.constant 3 : i32
      %add3A_83 = arith.addi %mul3A_31, %add3A_82 : i32
      %mul3A_84 = arith.constant 16 : i32
      %mul3A_85 = arith.muli %add3A_83, %mul3A_84 : i32
      %dma_wait3A_86 = tpu.memref_slice %arg5[%mul3A_85] : memref<1024xi32, #tpu.memory_space<vmem>> -> memref<16xi32, #tpu.memory_space<vmem>>
      %dma_wait3A_87 = arith.constant 0 : i32
      %dma_wait3A_88 = arith.constant 0 : i32
      %dma_wait3A_89 = tpu.memref_slice %arg3[%dma_wait3A_87, %dma_wait3A_88] : memref<8192x1024xf32, #tpu.memory_space<hbm>> -> memref<8192x1024xf32, #tpu.memory_space<hbm>>
      tpu.wait_indirect_dma semaphore(%arg13 : memref<!tpu.dma_semaphore, #tpu.memory_space<semaphore_mem>>) src(%dma_wait3A_89 : memref<8192x1024xf32, #tpu.memory_space<hbm>>) dst(%arg9 : memref<16x1024xf32, #tpu.memory_space<vmem>>)
      %mul3A_90 = arith.constant 16 : i32
      %mul3A_91 = arith.muli %add3A_83, %mul3A_90 : i32
      %add3A_92 = arith.addi %mul3A_2, %mul3A_91 : i32
      "tpu.region"() ({
        %run_scoped3A = tpu.sem_alloc : memref<!tpu.dma_semaphore, #tpu.memory_space<semaphore_mem>>
        %dma_start3A_101 = arith.constant 0 : i32
        %dma_start3A_102 = tpu.memref_slice %arg4[%add3A_92, %dma_start3A_101] : memref<32768x1024xf32, #tpu.memory_space<hbm>> -> memref<16x1024xf32, #tpu.memory_space<hbm>>
        %dma_start3A_103 = arith.constant 0 : i32
        %dma_start3A_104 = tpu.memref_slice %arg4[%add3A_92, %dma_start3A_103] : memref<32768x1024xf32, #tpu.memory_space<hbm>> -> memref<16x1024xf32, #tpu.memory_space<hbm>>
        tpu.enqueue_dma source(%arg9 : memref<16x1024xf32, #tpu.memory_space<vmem>>) target(%dma_start3A_104 : memref<16x1024xf32, #tpu.memory_space<hbm>>) target_semaphore(%run_scoped3A : memref<!tpu.dma_semaphore, #tpu.memory_space<semaphore_mem>>)
        %dma_wait3A_105 = arith.constant 0 : i32
        %dma_wait3A_106 = tpu.memref_slice %arg4[%add3A_92, %dma_wait3A_105] : memref<32768x1024xf32, #tpu.memory_space<hbm>> -> memref<16x1024xf32, #tpu.memory_space<hbm>>
        %dma_wait3A_107 = arith.constant 0 : i32
        %dma_wait3A_108 = tpu.memref_slice %arg4[%add3A_92, %dma_wait3A_107] : memref<32768x1024xf32, #tpu.memory_space<hbm>> -> memref<16x1024xf32, #tpu.memory_space<hbm>>
        tpu.wait_dma2 semaphore(%run_scoped3A : memref<!tpu.dma_semaphore, #tpu.memory_space<semaphore_mem>>) src(%arg9 : memref<16x1024xf32, #tpu.memory_space<vmem>>) dst(%dma_wait3A_108 : memref<16x1024xf32, #tpu.memory_space<hbm>>)
        tpu.yield
      }) : () -> ()
      %add3A_93 = arith.constant 4 : i32
      %add3A_94 = arith.addi %add3A_83, %add3A_93 : i32
      %lt3A_95 = arith.constant 64 : i32
      %lt3A_96 = arith.cmpi slt, %add3A_94, %lt3A_95 : i32
      %convert_element_type3A_97 = arith.extui %lt3A_96 : i1 to i32
      %cond3A_98 = arith.constant 0 : i32
      %cond3A_99 = arith.cmpi ne, %convert_element_type3A_97, %cond3A_98 : i32
      scf.if %cond3A_99 {
        %add3A_101 = arith.constant 4 : i32
        %add3A_102 = arith.addi %add3A_83, %add3A_101 : i32
        %mul3A_103 = arith.constant 16 : i32
        %mul3A_104 = arith.muli %add3A_102, %mul3A_103 : i32
        %dma_start3A_105 = tpu.memref_slice %arg5[%mul3A_104] : memref<1024xi32, #tpu.memory_space<vmem>> -> memref<16xi32, #tpu.memory_space<vmem>>
        %dma_start3A_106 = arith.constant 0 : i32
        %dma_start3A_107 = arith.constant 0 : i32
        %dma_start3A_108 = tpu.memref_slice %arg3[%dma_start3A_106, %dma_start3A_107] : memref<8192x1024xf32, #tpu.memory_space<hbm>> -> memref<8192x1024xf32, #tpu.memory_space<hbm>>
        tpu.enqueue_indirect_dma source(%dma_start3A_108 : memref<8192x1024xf32, #tpu.memory_space<hbm>>) target(%arg9 : memref<16x1024xf32, #tpu.memory_space<vmem>>) offsets(%dma_start3A_105 : memref<16xi32, #tpu.memory_space<vmem>>) semaphore(%arg13 : memref<!tpu.dma_semaphore, #tpu.memory_space<semaphore_mem>>)
      } else {
      }
      %scan3A_100 = arith.constant 0 : i32
      scf.yield %scan3A_100 : i32
    }
    %scan3A_27 = arith.constant 16 : i32
    return
  }
}

</mosaic_0001>

<sc_bundles>
// kernel: _sc_gather.3.cloned.1.call-start
scs
__scs_entry_jumppad:
0x0: {  	(pc) =	sbr.rel $0x88, $3  }
0x1: {  	(tag) =	ssettag $0x0;
	lr =	simm.s32 $0x1  }
0x2: {  	[smem:$0x3F9F] =	sst lr;
	_ =	strace $0xD0000000  }
0x3: {  	_ = 	snop  }
0x4: {  	_ = 	snop  }
0x5: {  	_ = 	snop  }
0x6: {  	_ = 	snop  }
0x7: {  	_ = 	snop  }
__scs_overlays_trampoline_lowered:
0x8: {  	[smem:$0x3FAE] =	sst s0  }
0x9: {  	[smem:$0x3FAF] =	sst s1  }
0xa: {  	[smem:$0x3FB0] =	sst s2  }
0xb: {  	[smem:$0x3FB1] =	sst s3  }
0xc: {  	[smem:$0x3FB2] =	sst s4  }
0xd: {  	[smem:$0x3FB3] =	sst s5  }
0xe: {  	[smem:$0x3FB4] =	sst s6  }
0xf: {  	[smem:$0x3FB5] =	sst s7  }
0x10: {  	[smem:$0x3FB6] =	sst s8  }
0x11: {  	[smem:$0x3FB7] =	sst s9;
	s0 =	simm.s32 @!p0 $0x0  }
0x12: {  	s1 =	sld [smem:$0x3F9D];
	s0 =	simm.s32 @p0 $0x1  }
0x13: {  	[smem:$0x3FB8] =	sst s0;
	s0 =	simm.s32 @!p1 $0x0  }
0x14: {  	s2 =	sld [smem:$0x3F9C];
	s0 =	simm.s32 @p1 $0x1  }
0x15: {  	[smem:$0x3FB9] =	sst s0;
	s0 =	simm.s32 @!p2 $0x0  }
0x16: {  	s3 =	sld [smem:$0x3FDB];
	s0 =	simm.s32 @p2 $0x1  }
0x17: {  	s4 =	simm.s32 $0x1BF5;
	[smem:$0x3FBB] =	sst s0  }
0x18: {  	s0 =	sld [smem:$0x3F9E];
	_ =	swait.ge [sflag:s4], $0x0  }
0x19: {  	s7 =	sld [smem:$0x3F9F]  }
0x1a: {  	s8 =	sadd.s32 $0xFFFFE003, lr  }
0x1b: {  	s9 =	sadd.s32 $0xFFFFFEF7, lr;
	s5 =	simm.s32 $0xFFFFFFFF;
	p2 =	slt.u32 s8, $0xFFFFF086  }
0x1c: {  	p1 =	slt.u32 s9, $0xF7A;
	s5 =	simm.s32 @!p2 $0x0  }
0x1d: {  	s5 =	simm.s32 @p1 $0x1;
	p0 =	seq.s32 s7, s2  }
0x1e: {  	s7 =	smul.u32 @!p0 $0xF7A, s2;
	p2 =	seq.s32 @!p0 s5, $0x0  }
0x1f: {  	s9 =	smul.u32 $0xF7A, s1;
	s8 =	simm.s32 @!p0 $0x1BF5;
	p2 =	por !p2, p0  }
0x20: {  	[sflag:s8] =	ssyncset.s32 @!p0 $0xFFFFF086;
	s6 =	sadd.s32 @!p0 s3, s7;
	s7 =	simm.s32 @!p0 $0x108  }
0x21: {  	s3 =	sadd.s32 s3, s9;
	s6 =	sadd.s32 @!p0 $0x88, s6;
	s7 =	simm.s32 @p2 $0x1082  }
0x22: {  	[simem:s7], [sflag:s8] =	dma.local @!p0 [hbm:s6], $0xF7A  }
0x23: {  	s9 =	sor.u32 $0xD0000000, s2;
	s6 =	simm.s32 $0x108;
	_ =	swait.ge @!p0 [sflag:s8], $0x0  }
0x24: {  	s3 =	sadd.s32 $0x88, s3;
	s6 =	simm.s32 @!p1 $0x1082;
	[sflag:s4] =	ssyncset.s32 $0xFFFFF086  }
0x25: {  	[simem:s6], [sflag:s4] =	dma.local [hbm:s3], $0xF7A  }
0x26: {  	[smem:$0x3F9F] =	sst s1;
	(tag) =	ssettag s2;
	_ =	strace s9  }
0x27: {  	s1 =	sld [smem:$0x3FAF]  }
0x28: {  	s2 =	sld [smem:$0x3FB0]  }
0x29: {  	s4 =	sld [smem:$0x3FB2]  }
0x2a: {  	p0 =	seq.s32 s5, $0x0;
	s5 =	sld [smem:$0x3FB3]  }
0x2b: {  	s6 =	sld [smem:$0x3FB4]  }
0x2c: {  	s7 =	sld [smem:$0x3FB5]  }
0x2d: {  	s3 =	simm.s32 $0x108;
	s8 =	sld [smem:$0x3FB6]  }
0x2e: {  	s3 =	simm.s32 @!p0 $0x1082;
	s9 =	sld [smem:$0x3FB7]  }
0x2f: {  	lr =	sadd.s32 s0, s3;
	s0 =	sld [smem:$0x3FAE]  }
0x30: {  	s3 =	sld [smem:$0x3FB1]  }
0x31: {  	[smem:$0x3FBA] =	sst s10  }
0x32: {  	s10 =	sld [smem:$0x3FB8];
	_ =	sdelay $0x3  }
0x33: {  	p0 =	seq.s32 s10, $0x1;
	s10 =	sld [smem:$0x3FBA];
	_ =	sdelay $0x3  }
0x34: {  	[smem:$0x3FBA] =	sst s10  }
0x35: {  	s10 =	sld [smem:$0x3FB9];
	_ =	sdelay $0x3  }
0x36: {  	p1 =	seq.s32 s10, $0x1;
	s10 =	sld [smem:$0x3FBA];
	_ =	sdelay $0x3  }
0x37: {  	[smem:$0x3FBA] =	sst s10  }
0x38: {  	s10 =	sld [smem:$0x3FBB]  }
0x39: {  	_ = 	snop;
	(pc) =	sbr.ind lr, $3  }
0x3a: {  	_ = 	snop  }
0x3b: {  	_ = 	snop  }
0x3c: {  	p2 =	seq.s32 s10, $0x1;
	s10 =	sld [smem:$0x3FBA]  }
0x3d: {  	_ =	shalt  }
0x3e: {  	_ =	shalt  }
0x3f: {  	_ =	shalt  }
0x40: {  	_ =	shalt  }
0x41: {  	_ =	shalt  }
0x42: {  	_ =	shalt  }
0x43: {  	_ =	shalt  }
0x44: {  	_ =	shalt  }
0x45: {  	_ =	shalt  }
0x46: {  	_ =	shalt  }
0x47: {  	_ =	shalt  }
0x48: {  	_ =	shalt  }
0x49: {  	_ =	shalt  }
0x4a: {  	_ =	shalt  }
0x4b: {  	_ =	shalt  }
0x4c: {  	_ =	shalt  }
0x4d: {  	_ =	shalt  }
0x4e: {  	_ =	shalt  }
0x4f: {  	_ =	shalt  }
0x50: {  	_ =	shalt  }
0x51: {  	_ =	shalt  }
0x52: {  	_ =	shalt  }
0x53: {  	_ =	shalt  }
0x54: {  	_ =	shalt  }
0x55: {  	_ =	shalt  }
0x56: {  	_ =	shalt  }
0x57: {  	_ =	shalt  }
0x58: {  	_ =	shalt  }
0x59: {  	_ =	shalt  }
0x5a: {  	_ =	shalt  }
0x5b: {  	_ =	shalt  }
0x5c: {  	_ =	shalt  }
0x5d: {  	_ =	shalt  }
0x5e: {  	_ =	shalt  }
0x5f: {  	_ =	shalt  }
0x60: {  	_ =	shalt  }
0x61: {  	_ =	shalt  }
0x62: {  	_ =	shalt  }
0x63: {  	_ =	shalt  }
0x64: {  	_ =	shalt  }
0x65: {  	_ =	shalt  }
0x66: {  	_ =	shalt  }
0x67: {  	_ =	shalt  }
0x68: {  	_ =	shalt  }
0x69: {  	_ =	shalt  }
0x6a: {  	_ =	shalt  }
0x6b: {  	_ =	shalt  }
0x6c: {  	_ =	shalt  }
0x6d: {  	_ =	shalt  }
0x6e: {  	_ =	shalt  }
0x6f: {  	_ =	shalt  }
0x70: {  	_ =	shalt  }
0x71: {  	_ =	shalt  }
0x72: {  	_ =	shalt  }
0x73: {  	_ =	shalt  }
0x74: {  	_ =	shalt  }
0x75: {  	_ =	shalt  }
0x76: {  	_ =	shalt  }
0x77: {  	_ =	shalt  }
0x78: {  	_ =	shalt  }
0x79: {  	_ =	shalt  }
0x7a: {  	_ =	shalt  }
0x7b: {  	_ =	shalt  }
0x7c: {  	_ =	shalt  }
0x7d: {  	_ =	shalt  }
0x7e: {  	_ =	shalt  }
0x7f: {  	_ =	shalt  }
0x80: {  	_ =	shalt  }
0x81: {  	_ =	shalt  }
0x82: {  	_ =	shalt  }
0x83: {  	_ =	shalt  }
0x84: {  	_ =	shalt  }
0x85: {  	_ =	shalt  }
0x86: {  	_ =	shalt  }
0x87: {  	_ =	shalt  }
.Lfunc_end0:
.L_simem_size_0:
called_computation_lowered:
.L_overlay_start_0:
0x88: {  	s2 =	sld [smem:$0x3FD9]  }
0x89: {  	s3 =	sld [smem:$0x3FFE];
	_ =	sdelay $0x1  }
0x8a: {  	s1 =	srdreg.scid  }
0x8b: {  	s0 =	sand.u32 $0x1, s1  }
0x8c: {  	s18 =	sshll.u32 s0, $0xA;
	s2 =	sadd.s32 s3, s2  }
0x8d: {  	s2 =	sadd.s32 s2, s18  }
0x8e: {  	[smem:$0x3FC6] =	sst s2  }
0x8f: {  	_ = 	snop  }
0x90: {  	s2 =	sld [smem:$0x3FC9]  }
0x91: {  	s19 =	sld [smem:$0x3FC8]  }
0x92: {  	s4 =	sld [smem:$0x3FD0];
	(tm) =	ssettm $0x1  }
0x93: {  	s5 =	sld [smem:$0x3FFB];
	_ =	sdelay $0x3  }
0x94: {  	_ =	strace s5  }
0x95: {  	s5 =	sld [smem:$0x3FFC];
	_ =	sdelay $0x3  }
0x96: {  	_ =	strace s5  }
0x97: {  	s5 =	sld [smem:$0x3FFD];
	_ =	sdelay $0x3  }
0x98: {  	_ =	strace s5  }
0x99: {  	_ =	strace $0x8FFFFFFF  }
0x9a: {  	s20 =	sld [smem:$0x3FDB];
	_ =	sdelay $0x1  }
0x9b: {  	s6 =	simm.s32 $_scs_section_size  }
0x9c: {  	s7 =	simm.s32 $_size__tile_overlayer_lowered;
	s8 =	simm.s32 $_tile_overlayer_lowered  }
0x9d: {  	s23 =	simm.s32 $0x1BFF;
	s22 =	sshll.u32 s8, $0x1;
	s5 =	sadd.s32 s6, s20  }
0x9e: {  	s9 =	simm.s32 $0x0;
	s21 =	sshll.u32 s7, $0x1;
	s7 =	sadd.s32 s22, s5  }
0x9f: {  	[timem:s9], [sflag:s23] =	dma.local [hbm:s7], s21  }
0xa0: {  	_ =	swait.ge [sflag:s23], s21  }
0xa1: {  	s6 =	ssub.s32 $0x0, s21;
	[sflag:s23] =	ssyncset.done $0x0  }
0xa2: {  	[sflag:s23] =	ssyncadd.s32 s6;
	_ =	sdelay $0x1  }
0xa3: {  	s24 =	simm.s32 $0x1B8B  }
0xa4: {  	_ =	swait.ge [sflag:s24], $0x1  }
0xa5: {  	[sflag:s24] =	ssyncset.done $0x0  }
0xa6: {  	s25 =	simm.s32 $0x1B8E;
	[sflag:s24] =	ssyncadd.s32 $0xFFFFFFFF  }
0xa7: {  	s26 =	simm.s32 $execute0_lowered;
	[smem:$0x3FD2] =	sst s25  }
0xa8: {  	s6 =	sshll.u32 s26, $0x1;
	_ =	strace $0x80000046;
	[dreg:$0x1] =	wrdreg $0xFFFFFFFF  }
0xa9: {  	s28 =	simm.s32 $_size_execute0_lowered;
	s5 =	sadd.s32 s5, s6;
	[dreg:$0x0] =	wrdreg $0x0  }
0xaa: {  	s6 =	sshll.u32 s28, $0x1;
	[dreg:$0x2] =	wrdreg s5  }
0xab: {  	[dreg:$0x3] =	wrdreg s6  }
0xac: {  	[dreg:$0x4] =	wrdreg $0xC0  }
0xad: {  	_ =	task [dreg:s9], $0x5FFFF  }
0xae: {  	[dreg:$0x1] =	wrdreg $0xFFFFFFFF  }
0xaf: {  	[dreg:$0x0] =	wrdreg $0x60  }
0xb0: {  	[dreg:$0x2] =	wrdreg s2  }
0xb1: {  	[dreg:$0x3] =	wrdreg s19  }
0xb2: {  	[dreg:$0x4] =	wrdreg s4  }
0xb3: {  	[dreg:$0x5] =	wrdreg $0x9  }
0xb4: {  	_ =	task.clear_ibuf [dreg:s9], $0x6FFFF;
	_ =	strace $0x90000046  }
0xb5: {  	s29 =	simm.s32 $0x9;
	_ =	strace $0x80000048  }
0xb6: {  	_ =	swait.ge [sflag:s29], $0x1  }
0xb7: {  	[sflag:s29] =	ssyncadd.s32 $0xFFFFFFFF  }
0xb8: {  	_ =	strace $0x90000048  }
0xb9: {  	_ =	sfence  }
0xba: {  	s30 =	sld [smem:$0x0];
	_ =	sdelay $0x2  }
0xbb: {  	s31 =	sshll.u32 s1, $0xD;
	s1 =	sshrl.u32 s1, $0x2  }
0xbc: {  	s3 =	sand.u32 $0x4000, s31;
	s1 =	sadd.s32 s1, s30  }
0xbd: {  	s0 =	sor.u32 s3, s0;
	s1 =	sshll.u32 s1, $0x11  }
0xbe: {  	s0 =	sor.u32 s1, s0  }
0xbf: {  	s0 =	sadd.s32 $0x8F2B, s0  }
0xc0: {  	[sflag:s0] =	ssyncadd.remote.s32 $0x1  }
0xc1: {  	_ =	sfence.sel $0xFFFF  }
0xc2: {  	[dreg:$0x0] =	wrdreg $0xFFFFFFFF;
	(pc) =	sbr.abs _section_cstart, $3  }
0xc3: {  	[dreg:$0x1] =	wrdreg $0xFFFFFFFF  }
0xc4: {  	_ =	task.clear_ibuf [dreg:s9], $0x2FFFF;
	_ =	strace $0x9FFFFFFF  }
0xc5: {  	(tm) =	ssettm $0x7FFFFFFF  }
tec
execute0_lowered:
.L_overlay_start_1:
0x0: {  	(tag) =	ssettag $0x1  }
0x1: {  	s0 =	rddreg [dreg:$0x0]  }
0x2: {  	s2 =	rddreg [dreg:$0x1]  }
0x3: {  	s1 =	rddreg [dreg:$0x2]  }
0x4: {  	s3 =	srdreg.scid;
	s10 =	stileid.u32  }
0x5: {  	s11 =	simm.s32 $0x400;
	s19 =	simm.s32 $0x4400;
	s28 =	simm.s32 $0x8400  }
0x6: {  	s13 =	simm.s32 $0xBC00;
	s14 =	simm.s32 $0xC400;
	s15 =	simm.s32 $0xCC00  }
0x7: {  	s16 =	simm.s32 $0xD400;
	s17 =	simm.s32 $0xDC00;
	s18 =	simm.s32 $0xE400  }
0x8: {  	s20 =	simm.s32 $0xEC00;
	s21 =	simm.s32 $0xF400;
	s22 =	simm.s32 $0xFC00  }
0x9: {  	s23 =	simm.s32 $0x1;
	s24 =	simm.s32 $0x2;
	s25 =	simm.s32 $0x3  }
0xa: {  	s29 =	simm.s32 $0x0;
	s9 =	sand.u32 $0x1, s3;
	s3 =	simm.s32 $0x0  }
0xb: {  	s4 =	sshll.u32 s10, $0xB;
	s7 =	sadd.s32 $0x300, s2;
	s30 =	sshll.u32 s10, $0x12  }
0xc: {  	s10 =	simm.s32 $0x5;
	s5 =	sshll.u32 s9, $0xA;
	[smem:$0x7FF] =	sst s3  }
.Ltmp0:
0xd: {  	s6 =	ssub.s32 $0x2, s9;
	s31 =	sshll.u32 s9, $0x11;
	(pc) =	sbr.rel .LBB2_1-.Ltmp0, $4  }
0xe: {  	s4 =	sor.u32 s5, s4;
	_ =	strace $0x80000047;
	s26 =	sshrl.u32 s6, $0x1  }
0xf: {  	v2 =	vlaneseq.u32;
	s5 =	sadd.s32 $0x100, s2;
	s4 =	sshrl.u32 s4, $0x3;
	s8 =	ssub.s32 s6, s26  }
0x10: {  	vm0 =	vmmov $0xffff;
	v1 =	vshrl.u32 v2, $0x3;
	s6 =	sadd.s32 $0x200, s2;
	s4 =	sadd.s32 s0, s4;
	s0 =	sadd.s32 s30, s1  }
0x11: {  	v0 =	vand.u32 $0x7, v2;
	v2 =	vor.u32 $0x8, v2;
	v1 =	vmul.u32 $0x8, v1;
	s26 =	simm.s32 $0x4;
	s8 =	smax.u32 s8, $0x1;
	s9 =	sadd.s32 s31, s0  }
.LBB2_4:
0x12: {  	s29 =	sadd.s32 $0x1, s29  }
0x13: {  	p0 =	sne.s32 s29, s8  }
.Ltmp1:
0x14: {  	_ = 	snop;
	(pc) =	sbr.rel @!p0 .LBB2_5-.Ltmp1, $1  }
0x15: {  	_ =	sdelay $0x3  }
.LBB2_1:
0x16: {  	[tilespmem:s3], [sflag:$0x5] =	stream.linear.gather [hbm4b:s4+s3], $0x400, $0x38;
	[tilespmem:$0x10400] =	vst v63  }
0x17: {  	_ =	swait.ge [sflag:s10], $0x400  }
0x18: {  	[sflag:s10] =	ssyncset.done $0x0  }
0x19: {  	[sflag:s10] =	ssyncadd.s32 $0xFFFFFC00  }
0x1a: {  	v3 =	vld [tilespmem:$0x0];
	_ =	sdelay $0x4  }
0x1b: {  	v4 =	vshll.u32 v3, $0x3  }
0x1c: {  	v3 =	vand.u32 $0x7, v3;
	v4 =	vand.u32 $0xFFFFFFC0, v4  }
0x1d: {  	v3 =	vor.u32 v3, v4  }
0x1e: {  	v4 =	vperm.xlane v3, v0;
	_ =	sdelay $0x1  }
0x1f: {  	v4 =	vadd.s32 v1, v4;
	_ =	sdelay $0x4  }
0x20: {  	[tilespmem:s11], [sflag:$0x1] =	stream.indirect_vreg.gather [hbm4b:s2+s3], $0x80, v4, vm0, $0xb8;
	[tilespmem:$0x10400] =	vst v63  }
0x21: {  	s0 =	simm.s32 $0xC00;
	v3 =	vperm.xlane v3, v2  }
0x22: {  	[tilespmem:s0], [sflag:$0x1] =	stream.indirect_vreg.gather [hbm4b:s5+s3], $0x80, v4, vm0, $0xb8;
	[tilespmem:$0x10400] =	vst v63  }
0x23: {  	s12 =	simm.s32 $0x1400;
	v3 =	vadd.s32 v1, v3  }
0x24: {  	[tilespmem:s12], [sflag:$0x1] =	stream.indirect_vreg.gather [hbm4b:s6+s3], $0x80, v4, vm0, $0xb8;
	[tilespmem:$0x10400] =	vst v63  }
0x25: {  	s1 =	simm.s32 $0x1C00  }
0x26: {  	[tilespmem:s1], [sflag:$0x1] =	stream.indirect_vreg.gather [hbm4b:s7+s3], $0x80, v4, vm0, $0xb8;
	[tilespmem:$0x10400] =	vst v63  }
0x27: {  	s12 =	simm.s32 $0x2400  }
0x28: {  	[tilespmem:s12], [sflag:$0x1] =	stream.indirect_vreg.gather [hbm4b:s2+s3], $0x80, v3, vm0, $0xb8;
	[tilespmem:$0x10400] =	vst v63  }
0x29: {  	s1 =	simm.s32 $0x2C00  }
0x2a: {  	[tilespmem:s1], [sflag:$0x1] =	stream.indirect_vreg.gather [hbm4b:s5+s3], $0x80, v3, vm0, $0xb8;
	[tilespmem:$0x10400] =	vst v63  }
0x2b: {  	s12 =	simm.s32 $0x3400  }
0x2c: {  	[tilespmem:s12], [sflag:$0x1] =	stream.indirect_vreg.gather [hbm4b:s6+s3], $0x80, v3, vm0, $0xb8;
	[tilespmem:$0x10400] =	vst v63  }
0x2d: {  	s1 =	simm.s32 $0x3C00  }
0x2e: {  	[tilespmem:s1], [sflag:$0x1] =	stream.indirect_vreg.gather [hbm4b:s7+s3], $0x80, v3, vm0, $0xb8;
	[tilespmem:$0x10400] =	vst v63  }
0x2f: {  	v3 =	vld [tilespmem:$0x10];
	_ =	sdelay $0x4  }
0x30: {  	v61 =	vshll.u32 v3, $0x3  }
0x31: {  	v3 =	vand.u32 $0x7, v3;
	v4 =	vand.u32 $0xFFFFFFC0, v61  }
0x32: {  	v3 =	vor.u32 v3, v4  }
0x33: {  	v4 =	vperm.xlane v3, v0;
	_ =	sdelay $0x1  }
0x34: {  	v4 =	vadd.s32 v1, v4;
	_ =	sdelay $0x4  }
0x35: {  	[tilespmem:s19], [sflag:$0x2] =	stream.indirect_vreg.gather [hbm4b:s2+s3], $0x80, v4, vm0, $0xb8;
	[tilespmem:$0x10400] =	vst v63  }
0x36: {  	s12 =	simm.s32 $0x4C00;
	v3 =	vperm.xlane v3, v2  }
0x37: {  	[tilespmem:s12], [sflag:$0x2] =	stream.indirect_vreg.gather [hbm4b:s5+s3], $0x80, v4, vm0, $0xb8;
	[tilespmem:$0x10400] =	vst v63  }
0x38: {  	s1 =	simm.s32 $0x5400;
	v3 =	vadd.s32 v1, v3  }
0x39: {  	[tilespmem:s1], [sflag:$0x2] =	stream.indirect_vreg.gather [hbm4b:s6+s3], $0x80, v4, vm0, $0xb8;
	[tilespmem:$0x10400] =	vst v63  }
0x3a: {  	s12 =	simm.s32 $0x5C00  }
0x3b: {  	[tilespmem:s12], [sflag:$0x2] =	stream.indirect_vreg.gather [hbm4b:s7+s3], $0x80, v4, vm0, $0xb8;
	[tilespmem:$0x10400] =	vst v63  }
0x3c: {  	s1 =	simm.s32 $0x6400  }
0x3d: {  	[tilespmem:s1], [sflag:$0x2] =	stream.indirect_vreg.gather [hbm4b:s2+s3], $0x80, v3, vm0, $0xb8;
	[tilespmem:$0x10400] =	vst v63  }
0x3e: {  	s12 =	simm.s32 $0x6C00  }
0x3f: {  	[tilespmem:s12], [sflag:$0x2] =	stream.indirect_vreg.gather [hbm4b:s5+s3], $0x80, v3, vm0, $0xb8;
	[tilespmem:$0x10400] =	vst v63  }
0x40: {  	s1 =	simm.s32 $0x7400  }
0x41: {  	[tilespmem:s1], [sflag:$0x2] =	stream.indirect_vreg.gather [hbm4b:s6+s3], $0x80, v3, vm0, $0xb8;
	[tilespmem:$0x10400] =	vst v63  }
0x42: {  	s12 =	simm.s32 $0x7C00  }
0x43: {  	[tilespmem:s12], [sflag:$0x2] =	stream.indirect_vreg.gather [hbm4b:s7+s3], $0x80, v3, vm0, $0xb8;
	[tilespmem:$0x10400] =	vst v63  }
0x44: {  	v3 =	vld [tilespmem:$0x20];
	_ =	sdelay $0x4  }
0x45: {  	v62 =	vshll.u32 v3, $0x3  }
0x46: {  	v3 =	vand.u32 $0x7, v3;
	v4 =	vand.u32 $0xFFFFFFC0, v62  }
0x47: {  	v3 =	vor.u32 v3, v4  }
0x48: {  	v4 =	vperm.xlane v3, v0;
	_ =	sdelay $0x1  }
0x49: {  	v4 =	vadd.s32 v1, v4;
	_ =	sdelay $0x4  }
0x4a: {  	[tilespmem:s28], [sflag:$0x3] =	stream.indirect_vreg.gather [hbm4b:s2+s3], $0x80, v4, vm0, $0xb8;
	[tilespmem:$0x10400] =	vst v63  }
0x4b: {  	s1 =	simm.s32 $0x8C00;
	v3 =	vperm.xlane v3, v2  }
0x4c: {  	[tilespmem:s1], [sflag:$0x3] =	stream.indirect_vreg.gather [hbm4b:s5+s3], $0x80, v4, vm0, $0xb8;
	[tilespmem:$0x10400] =	vst v63  }
0x4d: {  	s12 =	simm.s32 $0x9400;
	v3 =	vadd.s32 v1, v3  }
0x4e: {  	[tilespmem:s12], [sflag:$0x3] =	stream.indirect_vreg.gather [hbm4b:s6+s3], $0x80, v4, vm0, $0xb8;
	[tilespmem:$0x10400] =	vst v63  }
0x4f: {  	s1 =	simm.s32 $0x9C00  }
0x50: {  	[tilespmem:s1], [sflag:$0x3] =	stream.indirect_vreg.gather [hbm4b:s7+s3], $0x80, v4, vm0, $0xb8;
	[tilespmem:$0x10400] =	vst v63  }
0x51: {  	s12 =	simm.s32 $0xA400  }
0x52: {  	[tilespmem:s12], [sflag:$0x3] =	stream.indirect_vreg.gather [hbm4b:s2+s3], $0x80, v3, vm0, $0xb8;
	[tilespmem:$0x10400] =	vst v63  }
0x53: {  	s1 =	simm.s32 $0xAC00  }
0x54: {  	[tilespmem:s1], [sflag:$0x3] =	stream.indirect_vreg.gather [hbm4b:s5+s3], $0x80, v3, vm0, $0xb8;
	[tilespmem:$0x10400] =	vst v63  }
0x55: {  	s12 =	simm.s32 $0xB400  }
0x56: {  	[tilespmem:s12], [sflag:$0x3] =	stream.indirect_vreg.gather [hbm4b:s6+s3], $0x80, v3, vm0, $0xb8;
	[tilespmem:$0x10400] =	vst v63  }
0x57: {  	_ = 	snop  }
0x58: {  	[tilespmem:s13], [sflag:$0x3] =	stream.indirect_vreg.gather [hbm4b:s7+s3], $0x80, v3, vm0, $0xb8;
	[tilespmem:$0x10400] =	vst v63  }
0x59: {  	v3 =	vld [tilespmem:$0x30];
	_ =	sdelay $0x4  }
0x5a: {  	v63 =	vshll.u32 v3, $0x3  }
0x5b: {  	v3 =	vand.u32 $0x7, v3;
	v4 =	vand.u32 $0xFFFFFFC0, v63  }
0x5c: {  	v3 =	vor.u32 v3, v4  }
0x5d: {  	v4 =	vperm.xlane v3, v0;
	_ =	sdelay $0x1  }
0x5e: {  	v4 =	vadd.s32 v1, v4;
	_ =	sdelay $0x4  }
0x5f: {  	[tilespmem:s14], [sflag:$0x4] =	stream.indirect_vreg.gather [hbm4b:s2+s3], $0x80, v4, vm0, $0xb8;
	[tilespmem:$0x10400] =	vst v63  }
0x60: {  	v3 =	vperm.xlane v3, v2  }
0x61: {  	[tilespmem:s15], [sflag:$0x4] =	stream.indirect_vreg.gather [hbm4b:s5+s3], $0x80, v4, vm0, $0xb8;
	[tilespmem:$0x10400] =	vst v63  }
0x62: {  	v3 =	vadd.s32 v1, v3  }
0x63: {  	[tilespmem:s16], [sflag:$0x4] =	stream.indirect_vreg.gather [hbm4b:s6+s3], $0x80, v4, vm0, $0xb8;
	[tilespmem:$0x10400] =	vst v63  }
0x64: {  	_ = 	snop  }
0x65: {  	[tilespmem:s17], [sflag:$0x4] =	stream.indirect_vreg.gather [hbm4b:s7+s3], $0x80, v4, vm0, $0xb8;
	[tilespmem:$0x10400] =	vst v63  }
0x66: {  	_ = 	snop  }
0x67: {  	[tilespmem:s18], [sflag:$0x4] =	stream.indirect_vreg.gather [hbm4b:s2+s3], $0x80, v3, vm0, $0xb8;
	[tilespmem:$0x10400] =	vst v63  }
0x68: {  	_ = 	snop  }
0x69: {  	[tilespmem:s20], [sflag:$0x4] =	stream.indirect_vreg.gather [hbm4b:s5+s3], $0x80, v3, vm0, $0xb8;
	[tilespmem:$0x10400] =	vst v63  }
0x6a: {  	_ = 	snop  }
0x6b: {  	[tilespmem:s21], [sflag:$0x4] =	stream.indirect_vreg.gather [hbm4b:s6+s3], $0x80, v3, vm0, $0xb8;
	[tilespmem:$0x10400] =	vst v63  }
0x6c: {  	s30 =	simm.s32 $0x70;
	s31 =	simm.s32 $0x0  }
0x6d: {  	[tilespmem:s22], [sflag:$0x4] =	stream.indirect_vreg.gather [hbm4b:s7+s3], $0x80, v3, vm0, $0xb8;
	[tilespmem:$0x10400] =	vst v63  }
.LBB2_2:
0x6e: {  	_ =	swait.ge [sflag:s23], $0x4000  }
0x6f: {  	[sflag:s23] =	ssyncset.done $0x0  }
0x70: {  	s0 =	sadd.s32 s31, s9;
	[sflag:s23] =	ssyncadd.s32 $0xFFFFC000  }
0x71: {  	[hbm4b:s0+s3] =	stream.linear.scatter [tilespmem:s11], [sflag:$0x5], $0x4000, $0x38;
	[tilespmem:$0x10400] =	vst v63  }
0x72: {  	_ =	swait.ge [sflag:s10], $0x4000  }
0x73: {  	[sflag:s10] =	ssyncset.done $0x0  }
0x74: {  	p0 =	seq.s32 s31, $0x1E000;
	[sflag:s10] =	ssyncadd.s32 $0xFFFFC000  }
0x75: {  	v3 =	vld @!p0 [tilespmem:s30+$0xFFFFFFD0];
	_ =	sdelay $0x4  }
0x76: {  	v4 =	vshll.u32 @!p0 v3, $0x3  }
0x77: {  	v5 =	vlaneseq.u32 @!p0;
	v3 =	vand.u32 @!p0 $0x7, v3;
	v4 =	vand.u32 @!p0 $0xFFFFFFC0, v4  }
0x78: {  	v6 =	vshrl.u32 @!p0 v5, $0x3;
	v3 =	vor.u32 @!p0 v3, v4;
	v4 =	vand.u32 @!p0 $0x7, v5  }
0x79: {  	v6 =	vmul.u32 @!p0 $0x8, v6;
	v7 =	vperm.xlane @!p0 v3, v4;
	_ =	sdelay $0x1  }
0x7a: {  	v7 =	vadd.s32 @!p0 v6, v7;
	_ =	sdelay $0x3  }
0x7b: {  	vm1 =	vmmov @!p0 $0xffff;
	s1 =	simm.s32 @!p0 $0x0;
	s12 =	simm.s32 @!p0 $0x400  }
0x7c: {  	v5 =	vor.u32 @!p0 $0x8, v5;
	[tilespmem:s12], [sflag:$0x1] =	stream.indirect_vreg.gather @!p0 [hbm4b:s2+s1], $0x80, v7, vm1, $0xb8;
	[tilespmem:$0x10400] =	vst v63  }
0x7d: {  	v3 =	vperm.xlane @!p0 v3, v5;
	s12 =	simm.s32 @!p0 $0xC00  }
0x7e: {  	[tilespmem:s12], [sflag:$0x1] =	stream.indirect_vreg.gather @!p0 [hbm4b:s5+s1], $0x80, v7, vm1, $0xb8;
	[tilespmem:$0x10400] =	vst v63  }
0x7f: {  	v3 =	vadd.s32 @!p0 v6, v3;
	s12 =	simm.s32 @!p0 $0x1400  }
0x80: {  	[tilespmem:s12], [sflag:$0x1] =	stream.indirect_vreg.gather @!p0 [hbm4b:s6+s1], $0x80, v7, vm1, $0xb8;
	[tilespmem:$0x10400] =	vst v63  }
0x81: {  	s12 =	simm.s32 @!p0 $0x1C00  }
0x82: {  	[tilespmem:s12], [sflag:$0x1] =	stream.indirect_vreg.gather @!p0 [hbm4b:s7+s1], $0x80, v7, vm1, $0xb8;
	[tilespmem:$0x10400] =	vst v63  }
0x83: {  	s12 =	simm.s32 @!p0 $0x2400  }
0x84: {  	[tilespmem:s12], [sflag:$0x1] =	stream.indirect_vreg.gather @!p0 [hbm4b:s2+s1], $0x80, v3, vm1, $0xb8;
	[tilespmem:$0x10400] =	vst v63  }
0x85: {  	s12 =	simm.s32 @!p0 $0x2C00  }
0x86: {  	[tilespmem:s12], [sflag:$0x1] =	stream.indirect_vreg.gather @!p0 [hbm4b:s5+s1], $0x80, v3, vm1, $0xb8;
	[tilespmem:$0x10400] =	vst v63  }
0x87: {  	s12 =	simm.s32 @!p0 $0x3400  }
0x88: {  	[tilespmem:s12], [sflag:$0x1] =	stream.indirect_vreg.gather @!p0 [hbm4b:s6+s1], $0x80, v3, vm1, $0xb8;
	[tilespmem:$0x10400] =	vst v63  }
0x89: {  	s12 =	simm.s32 @!p0 $0x3C00  }
0x8a: {  	[tilespmem:s12], [sflag:$0x1] =	stream.indirect_vreg.gather @!p0 [hbm4b:s7+s1], $0x80, v3, vm1, $0xb8;
	[tilespmem:$0x10400] =	vst v63  }
0x8b: {  	_ =	swait.ge [sflag:s24], $0x4000  }
0x8c: {  	[sflag:s24] =	ssyncset.done $0x0  }
0x8d: {  	s12 =	sadd.s32 $0x800, s0;
	[sflag:s24] =	ssyncadd.s32 $0xFFFFC000  }
0x8e: {  	[hbm4b:s12+s3] =	stream.linear.scatter [tilespmem:s19], [sflag:$0x5], $0x4000, $0x38;
	[tilespmem:$0x10400] =	vst v63  }
0x8f: {  	_ =	swait.ge [sflag:s10], $0x4000  }
0x90: {  	[sflag:s10] =	ssyncset.done $0x0  }
0x91: {  	[sflag:s10] =	ssyncadd.s32 $0xFFFFC000  }
0x92: {  	v3 =	vld @!p0 [tilespmem:s30+$0xFFFFFFE0];
	_ =	sdelay $0x4  }
0x93: {  	v7 =	vshll.u32 @!p0 v3, $0x3  }
0x94: {  	v3 =	vand.u32 @!p0 $0x7, v3;
	v7 =	vand.u32 @!p0 $0xFFFFFFC0, v7  }
0x95: {  	v3 =	vor.u32 @!p0 v3, v7  }
0x96: {  	v7 =	vperm.xlane @!p0 v3, v4;
	_ =	sdelay $0x1  }
0x97: {  	v7 =	vadd.s32 @!p0 v6, v7;
	_ =	sdelay $0x3  }
0x98: {  	s12 =	simm.s32 @!p0 $0x4400  }
0x99: {  	[tilespmem:s12], [sflag:$0x2] =	stream.indirect_vreg.gather @!p0 [hbm4b:s2+s1], $0x80, v7, vm1, $0xb8;
	[tilespmem:$0x10400] =	vst v63  }
0x9a: {  	v3 =	vperm.xlane @!p0 v3, v5;
	s12 =	simm.s32 @!p0 $0x4C00  }
0x9b: {  	[tilespmem:s12], [sflag:$0x2] =	stream.indirect_vreg.gather @!p0 [hbm4b:s5+s1], $0x80, v7, vm1, $0xb8;
	[tilespmem:$0x10400] =	vst v63  }
0x9c: {  	v3 =	vadd.s32 @!p0 v6, v3;
	s12 =	simm.s32 @!p0 $0x5400  }
0x9d: {  	[tilespmem:s12], [sflag:$0x2] =	stream.indirect_vreg.gather @!p0 [hbm4b:s6+s1], $0x80, v7, vm1, $0xb8;
	[tilespmem:$0x10400] =	vst v63  }
0x9e: {  	s12 =	simm.s32 @!p0 $0x5C00  }
0x9f: {  	[tilespmem:s12], [sflag:$0x2] =	stream.indirect_vreg.gather @!p0 [hbm4b:s7+s1], $0x80, v7, vm1, $0xb8;
	[tilespmem:$0x10400] =	vst v63  }
0xa0: {  	s12 =	simm.s32 @!p0 $0x6400  }
0xa1: {  	[tilespmem:s12], [sflag:$0x2] =	stream.indirect_vreg.gather @!p0 [hbm4b:s2+s1], $0x80, v3, vm1, $0xb8;
	[tilespmem:$0x10400] =	vst v63  }
0xa2: {  	s12 =	simm.s32 @!p0 $0x6C00  }
0xa3: {  	[tilespmem:s12], [sflag:$0x2] =	stream.indirect_vreg.gather @!p0 [hbm4b:s5+s1], $0x80, v3, vm1, $0xb8;
	[tilespmem:$0x10400] =	vst v63  }
0xa4: {  	s12 =	simm.s32 @!p0 $0x7400  }
0xa5: {  	[tilespmem:s12], [sflag:$0x2] =	stream.indirect_vreg.gather @!p0 [hbm4b:s6+s1], $0x80, v3, vm1, $0xb8;
	[tilespmem:$0x10400] =	vst v63  }
0xa6: {  	s12 =	simm.s32 @!p0 $0x7C00  }
0xa7: {  	[tilespmem:s12], [sflag:$0x2] =	stream.indirect_vreg.gather @!p0 [hbm4b:s7+s1], $0x80, v3, vm1, $0xb8;
	[tilespmem:$0x10400] =	vst v63  }
0xa8: {  	_ =	swait.ge [sflag:s25], $0x4000  }
0xa9: {  	[sflag:s25] =	ssyncset.done $0x0  }
0xaa: {  	s12 =	sadd.s32 $0x1000, s0;
	[sflag:s25] =	ssyncadd.s32 $0xFFFFC000  }
0xab: {  	[hbm4b:s12+s3] =	stream.linear.scatter [tilespmem:s28], [sflag:$0x5], $0x4000, $0x38;
	[tilespmem:$0x10400] =	vst v63  }
0xac: {  	_ =	swait.ge [sflag:s10], $0x4000  }
0xad: {  	[sflag:s10] =	ssyncset.done $0x0  }
0xae: {  	[sflag:s10] =	ssyncadd.s32 $0xFFFFC000  }
0xaf: {  	v3 =	vld @!p0 [tilespmem:s30+$0xFFFFFFF0];
	_ =	sdelay $0x4  }
0xb0: {  	v7 =	vshll.u32 @!p0 v3, $0x3  }
0xb1: {  	v3 =	vand.u32 @!p0 $0x7, v3;
	v7 =	vand.u32 @!p0 $0xFFFFFFC0, v7  }
0xb2: {  	v3 =	vor.u32 @!p0 v3, v7  }
0xb3: {  	v4 =	vperm.xlane @!p0 v3, v4;
	_ =	sdelay $0x1  }
0xb4: {  	v4 =	vadd.s32 @!p0 v6, v4;
	_ =	sdelay $0x3  }
0xb5: {  	s12 =	simm.s32 @!p0 $0x8400  }
0xb6: {  	[tilespmem:s12], [sflag:$0x3] =	stream.indirect_vreg.gather @!p0 [hbm4b:s2+s1], $0x80, v4, vm1, $0xb8;
	[tilespmem:$0x10400] =	vst v63  }
0xb7: {  	v3 =	vperm.xlane @!p0 v3, v5;
	s12 =	simm.s32 @!p0 $0x8C00  }
0xb8: {  	[tilespmem:s12], [sflag:$0x3] =	stream.indirect_vreg.gather @!p0 [hbm4b:s5+s1], $0x80, v4, vm1, $0xb8;
	[tilespmem:$0x10400] =	vst v63  }
0xb9: {  	v3 =	vadd.s32 @!p0 v6, v3;
	s12 =	simm.s32 @!p0 $0x9400  }
0xba: {  	[tilespmem:s12], [sflag:$0x3] =	stream.indirect_vreg.gather @!p0 [hbm4b:s6+s1], $0x80, v4, vm1, $0xb8;
	[tilespmem:$0x10400] =	vst v63  }
0xbb: {  	s12 =	simm.s32 @!p0 $0x9C00  }
0xbc: {  	[tilespmem:s12], [sflag:$0x3] =	stream.indirect_vreg.gather @!p0 [hbm4b:s7+s1], $0x80, v4, vm1, $0xb8;
	[tilespmem:$0x10400] =	vst v63  }
0xbd: {  	s12 =	simm.s32 @!p0 $0xA400  }
0xbe: {  	[tilespmem:s12], [sflag:$0x3] =	stream.indirect_vreg.gather @!p0 [hbm4b:s2+s1], $0x80, v3, vm1, $0xb8;
	[tilespmem:$0x10400] =	vst v63  }
0xbf: {  	s12 =	simm.s32 @!p0 $0xAC00  }
0xc0: {  	[tilespmem:s12], [sflag:$0x3] =	stream.indirect_vreg.gather @!p0 [hbm4b:s5+s1], $0x80, v3, vm1, $0xb8;
	[tilespmem:$0x10400] =	vst v63  }
0xc1: {  	s12 =	simm.s32 @!p0 $0xB400  }
0xc2: {  	[tilespmem:s12], [sflag:$0x3] =	stream.indirect_vreg.gather @!p0 [hbm4b:s6+s1], $0x80, v3, vm1, $0xb8;
	[tilespmem:$0x10400] =	vst v63  }
0xc3: {  	s12 =	simm.s32 @!p0 $0xBC00  }
0xc4: {  	[tilespmem:s12], [sflag:$0x3] =	stream.indirect_vreg.gather @!p0 [hbm4b:s7+s1], $0x80, v3, vm1, $0xb8;
	[tilespmem:$0x10400] =	vst v63  }
0xc5: {  	_ =	swait.ge [sflag:s26], $0x4000  }
0xc6: {  	[sflag:s26] =	ssyncset.done $0x0  }
.Ltmp2:
0xc7: {  	s0 =	sadd.s32 $0x1800, s0;
	[sflag:s26] =	ssyncadd.s32 $0xFFFFC000;
	(pc) =	sbr.rel @p0 .LBB2_4-.Ltmp2, $4  }
0xc8: {  	[hbm4b:s0+s3] =	stream.linear.scatter [tilespmem:s14], [sflag:$0x5], $0x4000, $0x38;
	[tilespmem:$0x10400] =	vst v63  }
0xc9: {  	_ =	swait.ge [sflag:s10], $0x4000  }
0xca: {  	[sflag:s10] =	ssyncset.done $0x0  }
0xcb: {  	[sflag:s10] =	ssyncadd.s32 $0xFFFFC000  }
0xcc: {  	v3 =	vld [tilespmem:s30+$0x0];
	_ =	sdelay $0x4  }
0xcd: {  	v4 =	vshll.u32 v3, $0x3  }
0xce: {  	v3 =	vand.u32 $0x7, v3;
	v4 =	vand.u32 $0xFFFFFFC0, v4  }
0xcf: {  	v3 =	vor.u32 v3, v4  }
0xd0: {  	v4 =	vperm.xlane v3, v0;
	_ =	sdelay $0x1  }
0xd1: {  	v4 =	vadd.s32 v1, v4;
	_ =	sdelay $0x4  }
0xd2: {  	[tilespmem:s14], [sflag:$0x4] =	stream.indirect_vreg.gather [hbm4b:s2+s3], $0x80, v4, vm0, $0xb8;
	[tilespmem:$0x10400] =	vst v63  }
0xd3: {  	v3 =	vperm.xlane v3, v2  }
0xd4: {  	[tilespmem:s15], [sflag:$0x4] =	stream.indirect_vreg.gather [hbm4b:s5+s3], $0x80, v4, vm0, $0xb8;
	[tilespmem:$0x10400] =	vst v63  }
0xd5: {  	v3 =	vadd.s32 v1, v3  }
0xd6: {  	[tilespmem:s16], [sflag:$0x4] =	stream.indirect_vreg.gather [hbm4b:s6+s3], $0x80, v4, vm0, $0xb8;
	[tilespmem:$0x10400] =	vst v63  }
0xd7: {  	_ = 	snop  }
0xd8: {  	[tilespmem:s17], [sflag:$0x4] =	stream.indirect_vreg.gather [hbm4b:s7+s3], $0x80, v4, vm0, $0xb8;
	[tilespmem:$0x10400] =	vst v63  }
0xd9: {  	_ = 	snop  }
0xda: {  	[tilespmem:s18], [sflag:$0x4] =	stream.indirect_vreg.gather [hbm4b:s2+s3], $0x80, v3, vm0, $0xb8;
	[tilespmem:$0x10400] =	vst v63  }
0xdb: {  	_ = 	snop  }
0xdc: {  	[tilespmem:s20], [sflag:$0x4] =	stream.indirect_vreg.gather [hbm4b:s5+s3], $0x80, v3, vm0, $0xb8;
	[tilespmem:$0x10400] =	vst v63  }
.Ltmp3:
0xdd: {  	_ = 	snop;
	(pc) =	sbr.rel .LBB2_2-.Ltmp3, $4  }
0xde: {  	_ = 	snop  }
0xdf: {  	[tilespmem:s21], [sflag:$0x4] =	stream.indirect_vreg.gather [hbm4b:s6+s3], $0x80, v3, vm0, $0xb8;
	[tilespmem:$0x10400] =	vst v63  }
0xe0: {  	s31 =	sadd.s32 $0x2000, s31;
	s30 =	sadd.s32 $0x40, s30  }
0xe1: {  	[tilespmem:s22], [sflag:$0x4] =	stream.indirect_vreg.gather [hbm4b:s7+s3], $0x80, v3, vm0, $0xb8;
	[tilespmem:$0x10400] =	vst v63  }
.LBB2_5:
0xe2: {  	_ =	sfence.sel $0x180000  }
0xe3: {  	[bflag:$0x0] =	sbarrier.arrive $0xFFFF  }
0xe4: {  	_ =	strace $0x90000047  }
0xe5: {  	s0 =	stileid.u32;
	[bflag:$0x2] =	sbarrier.arrive $0xFFFF  }
0xe6: {  	p0 =	sne.s32 s0, $0x0;
	s0 =	rddreg [dreg:$0x3]  }
0xe7: {  	s0 =	sadd.s32 @!p0 $0x100000, s0  }
0xe8: {  	[sflag:s0] =	ssyncadd.tile.s32 @!p0 $0x1;
	_ =	shalt  }
.Lfunc_end2:
_tile_overlayer_lowered:
.L_overlay_start_2:
0xe9: {  	(tag) =	ssettag $0x2  }
0xea: {  	s0 =	rddreg [dreg:$0x0];
	s2 =	stileid.u32  }
0xeb: {  	s1 =	rddreg [dreg:$0x1];
	p0 =	sne.s32 s2, $0x0  }
0xec: {  	s3 =	rddreg [dreg:$0x2];
	[bflag:$0x3] =	sbarrier.arrive $0xFFFF;
	s2 =	simm.s32 @!p0 $0x1C05  }
0xed: {  	[timem:s3], [sflag:s2] =	dma.local @!p0 [hbm:s0], s1  }
0xee: {  	s0 =	simm.s32 @!p0 $0x5  }
0xef: {  	_ =	swait.ge @!p0 [sflag:s0], s1  }
0xf0: {  	s1 =	ssub.s32 @!p0 $0x0, s1;
	[sflag:s0] =	ssyncset.done @!p0 $0x0  }
0xf1: {  	[sflag:s0] =	ssyncadd.s32 @!p0 s1  }
0xf2: {  	[bflag:$0x3] =	sbarrier.arrive $0xFFFF  }
0xf3: {  	_ =	shalt  }

</sc_bundles>
